<compile_context>
chip_gen: v7x
topology: tpu7x:2x2x1
jax: 0.10.2.dev20260603
libtpu: 0.0.44.dev20260713+nightly
codegen_flags: <defaults>
</compile_context>

<pallas_src>
import math

import jax
import jax.numpy as jnp
from jax.experimental import pallas as pl
from jax.experimental.pallas import tpu as pltpu

_K = 8
_N_REAL = 800
_N_ALL = 1000
_HW = 128 * 128
_LN2 = math.log(2.0)
_LOG2E = 1.0 / _LN2


def _bce_body(idx_ref, np_ref, p_hbm, m_hbm, s_ref, o_ref, pbuf, mbuf,
              psem, msem):
    npos = np_ref[0]

    def issue(k):
        s = jax.lax.rem(k, _K)
        src_i = idx_ref[k]
        pltpu.make_async_copy(p_hbm.at[src_i], pbuf.at[s], psem.at[s]).start()
        pltpu.make_async_copy(m_hbm.at[src_i], mbuf.at[s], msem.at[s]).start()

    def _pro(k, c):
        @pl.when(k < npos)
        def _():
            issue(k)
        return c

    jax.lax.fori_loop(0, _K, _pro, 0)

    def _step(k, acc):
        s = jax.lax.rem(k, _K)
        pltpu.make_async_copy(p_hbm.at[idx_ref[k]], pbuf.at[s],
                              psem.at[s]).wait()
        pltpu.make_async_copy(m_hbm.at[idx_ref[k]], mbuf.at[s],
                              msem.at[s]).wait()
        x = pbuf[s]
        m = mbuf[s]
        xs = x * _LOG2E
        t = jnp.log2(1.0 + jnp.exp2(xs))
        u = t - jnp.where(m >= 0.5, xs, 0.0)

        @pl.when(k + _K < npos)
        def _():
            issue(k + _K)

        return acc + u

    acc = jax.lax.fori_loop(0, npos, _step,
                            jnp.zeros((128, 128), jnp.float32))

    s = s_ref[...]
    posf = (s > 0.0).astype(jnp.float32)
    flat = (jax.lax.broadcasted_iota(jnp.int32, (8, 128), 0) * 128
            + jax.lax.broadcasted_iota(jnp.int32, (8, 128), 1))
    denom = jnp.sum(posf)
    pad_cnt = jnp.sum(jnp.where(flat >= _N_REAL, posf, 0.0))
    loss_sum = _LN2 * jnp.sum(acc)
    loss = (loss_sum + pad_cnt * (_HW * _LN2)) / denom
    o_ref[...] = jnp.reshape(loss, (1, 1))


def kernel(mask_preds, masks, scores):
    preds3 = mask_preds[0]
    masks3 = masks[0, :_N_REAL]
    scores_f = scores.reshape(-1)

    pos800 = scores_f[:_N_REAL] > 0.0
    idx = jnp.nonzero(pos800, size=_N_REAL, fill_value=0)[0].astype(jnp.int32)
    npos = jnp.sum(pos800).astype(jnp.int32).reshape(1)
    s_pad = jnp.pad(scores_f, (0, 1024 - _N_ALL),
                    constant_values=-1.0).reshape(8, 128)

    grid_spec = pltpu.PrefetchScalarGridSpec(
        num_scalar_prefetch=2,
        grid=(1,),
        in_specs=[
            pl.BlockSpec(memory_space=pl.ANY),
            pl.BlockSpec(memory_space=pl.ANY),
            pl.BlockSpec((8, 128), lambda i, *_: (0, 0)),
        ],
        out_specs=pl.BlockSpec((1, 1), lambda i, *_: (0, 0)),
        scratch_shapes=[
            pltpu.VMEM((_K, 128, 128), jnp.float32),
            pltpu.VMEM((_K, 128, 128), jnp.float32),
            pltpu.SemaphoreType.DMA((_K,)),
            pltpu.SemaphoreType.DMA((_K,)),
        ],
    )
    out = pl.pallas_call(
        _bce_body,
        grid_spec=grid_spec,
        out_shape=jax.ShapeDtypeStruct((1, 1), jnp.float32),
    )(idx, npos, preds3, masks3, s_pad)
    return out[0, 0]

# --- scband reference (transcript-rebuilt; emitter-appended) ---
"""Pipeline reference for scband-mask-loss-84722524881004 (READ-ONLY COPY).

The authoritative reference and input builder live on the scoring server;
editing this copy changes nothing except your own understanding.
"""

import jax, jax.numpy as jnp
import numpy as np


def setup_inputs(seed: int = 0) -> dict:
    key = jax.random.key(seed)
    k1, k2, k3 = jax.random.split(key, 3)
    mask_preds = jax.random.normal(k1, (1, 800, 128, 128), dtype=jnp.float32)
    masks = jax.random.uniform(k2, (1, 1000, 128, 128), dtype=jnp.float32)
    scores = jax.random.normal(k3, (1, 1000), dtype=jnp.float32)
    return {"mask_preds": mask_preds, "masks": masks, "scores": scores}


def reference(mask_preds, masks, scores):
    num_masks, mask_height, mask_width = masks.shape[1:]
    scores_f = scores.reshape(1, -1)[0]
    masks_f = masks.reshape(-1, mask_height, mask_width)
    positive = scores_f > 0  # [N]
    pos = positive[:, None, None]  # [N,1,1]
    # binarize targets at 0.5 (in-place threshold in torch)
    masks_b = jnp.where(masks_f >= 0.5, 1.0, 0.0)
    # pad predicted masks along the instance dim to num_masks
    pad_size = num_masks - mask_preds.shape[1]
    preds = jnp.pad(mask_preds, ((0, 0), (0, pad_size), (0, 0), (0, 0)))
    preds_f = preds.reshape(-1, mask_height, mask_width)
    # binary_cross_entropy_with_logits, elementwise (numerically stable form)
    x = preds_f
    z = masks_b
    bce = jnp.maximum(x, 0.0) - x * z + jnp.log1p(jnp.exp(-jnp.abs(x)))
    # masked_select over positive instances == sum(bce * pos_mask)
    posf = pos.astype(jnp.float32)
    loss_sum = jnp.sum(bce * posf)
    denom = jnp.sum(posf)  # count of positive instances ([N,1,1] mask sum)
    return loss_sum / denom

if __name__ == "__main__":
    import jax
    _d = setup_inputs()
    print(jax.jit(kernel)(*tuple(_d.values())))

</pallas_src>

<mosaic_0001>
module attributes {stable_mosaic.version = 14 : i64} {
  func.func @_bce_body(%arg0: i32, %arg1: memref<800xi32, #tpu.memory_space<smem>>, %arg2: memref<1xi32, #tpu.memory_space<smem>>, %arg3: memref<800x128x128xf32, #tpu.memory_space<any>>, %arg4: memref<800x128x128xf32, #tpu.memory_space<any>>, %arg5: memref<8x128xf32, #tpu.memory_space<vmem>>, %arg6: memref<1x1xf32, #tpu.memory_space<vmem>>, %arg7: memref<8x128x128xf32, #tpu.memory_space<vmem>>, %arg8: memref<8x128x128xf32, #tpu.memory_space<vmem>>, %arg9: memref<8x!tpu.dma_semaphore, #tpu.memory_space<semaphore_mem>>, %arg10: memref<8x!tpu.dma_semaphore, #tpu.memory_space<semaphore_mem>>) attributes {dimension_semantics = [#tpu.dimension_semantics<arbitrary>], iteration_bounds = array<i64: 1>, scalar_prefetch = 2 : i64, scratch_operands = 4 : i64, tpu.core_type = #tpu.core_type<tc>, window_params = [{}, {}, {pipeline_mode = #tpu.pipeline_mode<synchronous>, transform_indices = @transform_2, window_bounds = array<i64: 8, 128>}, {pipeline_mode = #tpu.pipeline_mode<synchronous>, transform_indices = @transform_3, window_bounds = array<i64: 1, 1>}]} {
    %get3A = arith.constant 0 : index
    %get3A_0 = memref.load %arg2[%get3A] : memref<1xi32, #tpu.memory_space<smem>>
    %scan3A = arith.constant 0 : i32
    %scan3A_1 = arith.constant 8 : i32
    %scan3A_2 = arith.addi %scan3A, %scan3A_1 : i32
    %scan3A_3 = arith.constant 1 : i32
    scf.for %scan3A_49 = %scan3A to %scan3A_2 step %scan3A_3  : i32 {
      %lt3A = arith.cmpi slt, %scan3A_49, %get3A_0 : i32
      %convert_element_type3A_50 = arith.extui %lt3A : i1 to i32
      %cond3A = arith.constant 0 : i32
      %cond3A_51 = arith.cmpi ne, %convert_element_type3A_50, %cond3A : i32
      scf.if %cond3A_51 {
        %rem3A = arith.constant 8 : i32
        %rem3A_52 = arith.remsi %scan3A_49, %rem3A : i32
        %get3A_53 = arith.index_cast %scan3A_49 : i32 to index
        %get3A_54 = memref.load %arg1[%get3A_53] : memref<800xi32, #tpu.memory_space<smem>>
        %dma_start3A = tpu.memref_slice %arg9[%rem3A_52] : memref<8x!tpu.dma_semaphore, #tpu.memory_space<semaphore_mem>> -> memref<1x!tpu.dma_semaphore, #tpu.memory_space<semaphore_mem>>
        %dma_start3A_55 = tpu.memref_squeeze %dma_start3A : memref<1x!tpu.dma_semaphore, #tpu.memory_space<semaphore_mem>> -> memref<!tpu.dma_semaphore, #tpu.memory_space<semaphore_mem>>
        %dma_start3A_56 = arith.constant 0 : i32
        %dma_start3A_57 = arith.constant 0 : i32
        %dma_start3A_58 = tpu.memref_slice %arg7[%rem3A_52, %dma_start3A_56, %dma_start3A_57] : memref<8x128x128xf32, #tpu.memory_space<vmem>> -> memref<1x128x128xf32, #tpu.memory_space<vmem>>
        %dma_start3A_59 = tpu.memref_squeeze %dma_start3A_58 : memref<1x128x128xf32, #tpu.memory_space<vmem>> -> memref<128x128xf32, #tpu.memory_space<vmem>>
        %dma_start3A_60 = arith.constant 0 : i32
        %dma_start3A_61 = arith.constant 0 : i32
        %dma_start3A_62 = tpu.memref_slice %arg3[%get3A_54, %dma_start3A_60, %dma_start3A_61] : memref<800x128x128xf32, #tpu.memory_space<any>> -> memref<1x128x128xf32, #tpu.memory_space<any>>
        %dma_start3A_63 = tpu.memref_squeeze %dma_start3A_62 : memref<1x128x128xf32, #tpu.memory_space<any>> -> memref<128x128xf32, #tpu.memory_space<any>>
        tpu.enqueue_dma source(%dma_start3A_63 : memref<128x128xf32, #tpu.memory_space<any>>) target(%dma_start3A_59 : memref<128x128xf32, #tpu.memory_space<vmem>>) target_semaphore(%dma_start3A_55 : memref<!tpu.dma_semaphore, #tpu.memory_space<semaphore_mem>>)
        %dma_start3A_64 = tpu.memref_slice %arg10[%rem3A_52] : memref<8x!tpu.dma_semaphore, #tpu.memory_space<semaphore_mem>> -> memref<1x!tpu.dma_semaphore, #tpu.memory_space<semaphore_mem>>
        %dma_start3A_65 = tpu.memref_squeeze %dma_start3A_64 : memref<1x!tpu.dma_semaphore, #tpu.memory_space<semaphore_mem>> -> memref<!tpu.dma_semaphore, #tpu.memory_space<semaphore_mem>>
        %dma_start3A_66 = arith.constant 0 : i32
        %dma_start3A_67 = arith.constant 0 : i32
        %dma_start3A_68 = tpu.memref_slice %arg8[%rem3A_52, %dma_start3A_66, %dma_start3A_67] : memref<8x128x128xf32, #tpu.memory_space<vmem>> -> memref<1x128x128xf32, #tpu.memory_space<vmem>>
        %dma_start3A_69 = tpu.memref_squeeze %dma_start3A_68 : memref<1x128x128xf32, #tpu.memory_space<vmem>> -> memref<128x128xf32, #tpu.memory_space<vmem>>
        %dma_start3A_70 = arith.constant 0 : i32
        %dma_start3A_71 = arith.constant 0 : i32
        %dma_start3A_72 = tpu.memref_slice %arg4[%get3A_54, %dma_start3A_70, %dma_start3A_71] : memref<800x128x128xf32, #tpu.memory_space<any>> -> memref<1x128x128xf32, #tpu.memory_space<any>>
        %dma_start3A_73 = tpu.memref_squeeze %dma_start3A_72 : memref<1x128x128xf32, #tpu.memory_space<any>> -> memref<128x128xf32, #tpu.memory_space<any>>
        tpu.enqueue_dma source(%dma_start3A_73 : memref<128x128xf32, #tpu.memory_space<any>>) target(%dma_start3A_69 : memref<128x128xf32, #tpu.memory_space<vmem>>) target_semaphore(%dma_start3A_65 : memref<!tpu.dma_semaphore, #tpu.memory_space<semaphore_mem>>)
      } else {
      }
    }
    %scan3A_4 = arith.constant 8 : i32
    %broadcast_in_dim3A = arith.constant 0.000000e+00 : f32
    %broadcast_in_dim3A_5 = vector.broadcast %broadcast_in_dim3A : f32 to vector<128x128xf32>
    %while3A = arith.constant 0 : i32
    %while3A_6 = arith.subi %get3A_0, %while3A : i32
    %while3A_7 = arith.addi %while3A, %while3A_6 : i32
    %while3A_8 = arith.constant 1 : i32
    %while3A_9 = arith.divsi %while3A_6, %while3A_8 : i32
    %while3A_10 = arith.muli %while3A_9, %while3A_8 : i32
    %while3A_11 = arith.addi %while3A, %while3A_10 : i32
    %while3A_12 = arith.constant 1 : i32
    %while3A_13 = scf.for %while3A_49 = %while3A to %while3A_11 step %while3A_12 iter_args(%while3A_50 = %broadcast_in_dim3A_5) -> (vector<128x128xf32>)  : i32 {
      %rem3A = arith.constant 8 : i32
      %rem3A_51 = arith.remsi %while3A_49, %rem3A : i32
      %get3A_52 = arith.index_cast %while3A_49 : i32 to index
      %get3A_53 = memref.load %arg1[%get3A_52] : memref<800xi32, #tpu.memory_space<smem>>
      %dma_wait3A = tpu.memref_slice %arg9[%rem3A_51] : memref<8x!tpu.dma_semaphore, #tpu.memory_space<semaphore_mem>> -> memref<1x!tpu.dma_semaphore, #tpu.memory_space<semaphore_mem>>
      %dma_wait3A_54 = tpu.memref_squeeze %dma_wait3A : memref<1x!tpu.dma_semaphore, #tpu.memory_space<semaphore_mem>> -> memref<!tpu.dma_semaphore, #tpu.memory_space<semaphore_mem>>
      %dma_wait3A_55 = arith.constant 0 : i32
      %dma_wait3A_56 = arith.constant 0 : i32
      %dma_wait3A_57 = tpu.memref_slice %arg7[%rem3A_51, %dma_wait3A_55, %dma_wait3A_56] : memref<8x128x128xf32, #tpu.memory_space<vmem>> -> memref<1x128x128xf32, #tpu.memory_space<vmem>>
      %dma_wait3A_58 = tpu.memref_squeeze %dma_wait3A_57 : memref<1x128x128xf32, #tpu.memory_space<vmem>> -> memref<128x128xf32, #tpu.memory_space<vmem>>
      %dma_wait3A_59 = arith.constant 0 : i32
      %dma_wait3A_60 = arith.constant 0 : i32
      %dma_wait3A_61 = tpu.memref_slice %arg3[%get3A_53, %dma_wait3A_59, %dma_wait3A_60] : memref<800x128x128xf32, #tpu.memory_space<any>> -> memref<1x128x128xf32, #tpu.memory_space<any>>
      %dma_wait3A_62 = tpu.memref_squeeze %dma_wait3A_61 : memref<1x128x128xf32, #tpu.memory_space<any>> -> memref<128x128xf32, #tpu.memory_space<any>>
      tpu.wait_dma2 semaphore(%dma_wait3A_54 : memref<!tpu.dma_semaphore, #tpu.memory_space<semaphore_mem>>) src(%dma_wait3A_62 : memref<128x128xf32, #tpu.memory_space<any>>) dst(%dma_wait3A_58 : memref<128x128xf32, #tpu.memory_space<vmem>>)
      %get3A_63 = arith.index_cast %while3A_49 : i32 to index
      %get3A_64 = memref.load %arg1[%get3A_63] : memref<800xi32, #tpu.memory_space<smem>>
      %dma_wait3A_65 = tpu.memref_slice %arg10[%rem3A_51] : memref<8x!tpu.dma_semaphore, #tpu.memory_space<semaphore_mem>> -> memref<1x!tpu.dma_semaphore, #tpu.memory_space<semaphore_mem>>
      %dma_wait3A_66 = tpu.memref_squeeze %dma_wait3A_65 : memref<1x!tpu.dma_semaphore, #tpu.memory_space<semaphore_mem>> -> memref<!tpu.dma_semaphore, #tpu.memory_space<semaphore_mem>>
      %dma_wait3A_67 = arith.constant 0 : i32
      %dma_wait3A_68 = arith.constant 0 : i32
      %dma_wait3A_69 = tpu.memref_slice %arg8[%rem3A_51, %dma_wait3A_67, %dma_wait3A_68] : memref<8x128x128xf32, #tpu.memory_space<vmem>> -> memref<1x128x128xf32, #tpu.memory_space<vmem>>
      %dma_wait3A_70 = tpu.memref_squeeze %dma_wait3A_69 : memref<1x128x128xf32, #tpu.memory_space<vmem>> -> memref<128x128xf32, #tpu.memory_space<vmem>>
      %dma_wait3A_71 = arith.constant 0 : i32
      %dma_wait3A_72 = arith.constant 0 : i32
      %dma_wait3A_73 = tpu.memref_slice %arg4[%get3A_64, %dma_wait3A_71, %dma_wait3A_72] : memref<800x128x128xf32, #tpu.memory_space<any>> -> memref<1x128x128xf32, #tpu.memory_space<any>>
      %dma_wait3A_74 = tpu.memref_squeeze %dma_wait3A_73 : memref<1x128x128xf32, #tpu.memory_space<any>> -> memref<128x128xf32, #tpu.memory_space<any>>
      tpu.wait_dma2 semaphore(%dma_wait3A_66 : memref<!tpu.dma_semaphore, #tpu.memory_space<semaphore_mem>>) src(%dma_wait3A_74 : memref<128x128xf32, #tpu.memory_space<any>>) dst(%dma_wait3A_70 : memref<128x128xf32, #tpu.memory_space<vmem>>)
      %get3A_75 = arith.index_cast %rem3A_51 : i32 to index
      %get3A_76 = arith.constant 0 : index
      %get3A_77 = arith.constant 0 : index
      %get3A_78 = vector.load %arg7[%get3A_75, %get3A_76, %get3A_77] : memref<8x128x128xf32, #tpu.memory_space<vmem>>, vector<1x128x128xf32>
      %get3A_79 = vector.shape_cast %get3A_78 : vector<1x128x128xf32> to vector<128x128xf32>
      %get3A_80 = arith.index_cast %rem3A_51 : i32 to index
      %get3A_81 = arith.constant 0 : index
      %get3A_82 = arith.constant 0 : index
      %get3A_83 = vector.load %arg8[%get3A_80, %get3A_81, %get3A_82] : memref<8x128x128xf32, #tpu.memory_space<vmem>>, vector<1x128x128xf32>
      %get3A_84 = vector.shape_cast %get3A_83 : vector<1x128x128xf32> to vector<128x128xf32>
      %mul3A_85 = arith.constant 1.44269502 : f32
      %mul3A_86 = vector.broadcast %mul3A_85 : f32 to vector<128x128xf32>
      %mul3A_87 = arith.mulf %get3A_79, %mul3A_86 : vector<128x128xf32>
      %exp23A = math.exp2 %mul3A_87 : vector<128x128xf32>
      %add3A_88 = arith.constant 1.000000e+00 : f32
      %add3A_89 = vector.broadcast %add3A_88 : f32 to vector<128x128xf32>
      %add3A_90 = arith.addf %add3A_89, %exp23A : vector<128x128xf32>
      %log3A = math.log %add3A_90 : vector<128x128xf32>
      %log3A_91 = arith.constant 2.000000e+00 : f32
      %log3A_92 = math.log %log3A_91 : f32
      %div3A_93 = vector.broadcast %log3A_92 : f32 to vector<128x128xf32>
      %div3A_94 = arith.divf %log3A, %div3A_93 : vector<128x128xf32>
      %ge3A_95 = arith.constant 5.000000e-01 : f32
      %ge3A_96 = vector.broadcast %ge3A_95 : f32 to vector<128x128xf32>
      %ge3A_97 = arith.cmpf oge, %get3A_84, %ge3A_96 : vector<128x128xf32>
      %jit3A_98 = arith.constant 0.000000e+00 : f32
      %broadcast_in_dim3A_99 = vector.broadcast %jit3A_98 : f32 to vector<128x128xf32>
      %select_n3A_100 = arith.select %ge3A_97, %mul3A_87, %broadcast_in_dim3A_99 : vector<128x128xi1>, vector<128x128xf32>
      %sub3A = arith.subf %div3A_94, %select_n3A_100 : vector<128x128xf32>
      %add3A_101 = arith.constant 8 : i32
      %add3A_102 = arith.addi %while3A_49, %add3A_101 : i32
      %lt3A = arith.cmpi slt, %add3A_102, %get3A_0 : i32
      %convert_element_type3A_103 = arith.extui %lt3A : i1 to i32
      %cond3A = arith.constant 0 : i32
      %cond3A_104 = arith.cmpi ne, %convert_element_type3A_103, %cond3A : i32
      scf.if %cond3A_104 {
        %add3A_106 = arith.constant 8 : i32
        %add3A_107 = arith.addi %while3A_49, %add3A_106 : i32
        %rem3A_108 = arith.constant 8 : i32
        %rem3A_109 = arith.remsi %add3A_107, %rem3A_108 : i32
        %get3A_110 = arith.index_cast %add3A_107 : i32 to index
        %get3A_111 = memref.load %arg1[%get3A_110] : memref<800xi32, #tpu.memory_space<smem>>
        %dma_start3A = tpu.memref_slice %arg9[%rem3A_109] : memref<8x!tpu.dma_semaphore, #tpu.memory_space<semaphore_mem>> -> memref<1x!tpu.dma_semaphore, #tpu.memory_space<semaphore_mem>>
        %dma_start3A_112 = tpu.memref_squeeze %dma_start3A : memref<1x!tpu.dma_semaphore, #tpu.memory_space<semaphore_mem>> -> memref<!tpu.dma_semaphore, #tpu.memory_space<semaphore_mem>>
        %dma_start3A_113 = arith.constant 0 : i32
        %dma_start3A_114 = arith.constant 0 : i32
        %dma_start3A_115 = tpu.memref_slice %arg7[%rem3A_109, %dma_start3A_113, %dma_start3A_114] : memref<8x128x128xf32, #tpu.memory_space<vmem>> -> memref<1x128x128xf32, #tpu.memory_space<vmem>>
        %dma_start3A_116 = tpu.memref_squeeze %dma_start3A_115 : memref<1x128x128xf32, #tpu.memory_space<vmem>> -> memref<128x128xf32, #tpu.memory_space<vmem>>
        %dma_start3A_117 = arith.constant 0 : i32
        %dma_start3A_118 = arith.constant 0 : i32
        %dma_start3A_119 = tpu.memref_slice %arg3[%get3A_111, %dma_start3A_117, %dma_start3A_118] : memref<800x128x128xf32, #tpu.memory_space<any>> -> memref<1x128x128xf32, #tpu.memory_space<any>>
        %dma_start3A_120 = tpu.memref_squeeze %dma_start3A_119 : memref<1x128x128xf32, #tpu.memory_space<any>> -> memref<128x128xf32, #tpu.memory_space<any>>
        tpu.enqueue_dma source(%dma_start3A_120 : memref<128x128xf32, #tpu.memory_space<any>>) target(%dma_start3A_116 : memref<128x128xf32, #tpu.memory_space<vmem>>) target_semaphore(%dma_start3A_112 : memref<!tpu.dma_semaphore, #tpu.memory_space<semaphore_mem>>)
        %dma_start3A_121 = tpu.memref_slice %arg10[%rem3A_109] : memref<8x!tpu.dma_semaphore, #tpu.memory_space<semaphore_mem>> -> memref<1x!tpu.dma_semaphore, #tpu.memory_space<semaphore_mem>>
        %dma_start3A_122 = tpu.memref_squeeze %dma_start3A_121 : memref<1x!tpu.dma_semaphore, #tpu.memory_space<semaphore_mem>> -> memref<!tpu.dma_semaphore, #tpu.memory_space<semaphore_mem>>
        %dma_start3A_123 = arith.constant 0 : i32
        %dma_start3A_124 = arith.constant 0 : i32
        %dma_start3A_125 = tpu.memref_slice %arg8[%rem3A_109, %dma_start3A_123, %dma_start3A_124] : memref<8x128x128xf32, #tpu.memory_space<vmem>> -> memref<1x128x128xf32, #tpu.memory_space<vmem>>
        %dma_start3A_126 = tpu.memref_squeeze %dma_start3A_125 : memref<1x128x128xf32, #tpu.memory_space<vmem>> -> memref<128x128xf32, #tpu.memory_space<vmem>>
        %dma_start3A_127 = arith.constant 0 : i32
        %dma_start3A_128 = arith.constant 0 : i32
        %dma_start3A_129 = tpu.memref_slice %arg4[%get3A_111, %dma_start3A_127, %dma_start3A_128] : memref<800x128x128xf32, #tpu.memory_space<any>> -> memref<1x128x128xf32, #tpu.memory_space<any>>
        %dma_start3A_130 = tpu.memref_squeeze %dma_start3A_129 : memref<1x128x128xf32, #tpu.memory_space<any>> -> memref<128x128xf32, #tpu.memory_space<any>>
        tpu.enqueue_dma source(%dma_start3A_130 : memref<128x128xf32, #tpu.memory_space<any>>) target(%dma_start3A_126 : memref<128x128xf32, #tpu.memory_space<vmem>>) target_semaphore(%dma_start3A_122 : memref<!tpu.dma_semaphore, #tpu.memory_space<semaphore_mem>>)
      } else {
      }
      %add3A_105 = arith.addf %while3A_50, %sub3A : vector<128x128xf32>
      scf.yield %add3A_105 : vector<128x128xf32>
    }
    %while3A_14 = arith.constant 1 : i32
    %while3A_15 = scf.for %while3A_49 = %while3A_11 to %while3A_7 step %while3A_14 iter_args(%while3A_50 = %while3A_13) -> (vector<128x128xf32>)  : i32 {
      %rem3A = arith.constant 8 : i32
      %rem3A_51 = arith.remsi %while3A_49, %rem3A : i32
      %get3A_52 = arith.index_cast %while3A_49 : i32 to index
      %get3A_53 = memref.load %arg1[%get3A_52] : memref<800xi32, #tpu.memory_space<smem>>
      %dma_wait3A = tpu.memref_slice %arg9[%rem3A_51] : memref<8x!tpu.dma_semaphore, #tpu.memory_space<semaphore_mem>> -> memref<1x!tpu.dma_semaphore, #tpu.memory_space<semaphore_mem>>
      %dma_wait3A_54 = tpu.memref_squeeze %dma_wait3A : memref<1x!tpu.dma_semaphore, #tpu.memory_space<semaphore_mem>> -> memref<!tpu.dma_semaphore, #tpu.memory_space<semaphore_mem>>
      %dma_wait3A_55 = arith.constant 0 : i32
      %dma_wait3A_56 = arith.constant 0 : i32
      %dma_wait3A_57 = tpu.memref_slice %arg7[%rem3A_51, %dma_wait3A_55, %dma_wait3A_56] : memref<8x128x128xf32, #tpu.memory_space<vmem>> -> memref<1x128x128xf32, #tpu.memory_space<vmem>>
      %dma_wait3A_58 = tpu.memref_squeeze %dma_wait3A_57 : memref<1x128x128xf32, #tpu.memory_space<vmem>> -> memref<128x128xf32, #tpu.memory_space<vmem>>
      %dma_wait3A_59 = arith.constant 0 : i32
      %dma_wait3A_60 = arith.constant 0 : i32
      %dma_wait3A_61 = tpu.memref_slice %arg3[%get3A_53, %dma_wait3A_59, %dma_wait3A_60] : memref<800x128x128xf32, #tpu.memory_space<any>> -> memref<1x128x128xf32, #tpu.memory_space<any>>
      %dma_wait3A_62 = tpu.memref_squeeze %dma_wait3A_61 : memref<1x128x128xf32, #tpu.memory_space<any>> -> memref<128x128xf32, #tpu.memory_space<any>>
      tpu.wait_dma2 semaphore(%dma_wait3A_54 : memref<!tpu.dma_semaphore, #tpu.memory_space<semaphore_mem>>) src(%dma_wait3A_62 : memref<128x128xf32, #tpu.memory_space<any>>) dst(%dma_wait3A_58 : memref<128x128xf32, #tpu.memory_space<vmem>>)
      %get3A_63 = arith.index_cast %while3A_49 : i32 to index
      %get3A_64 = memref.load %arg1[%get3A_63] : memref<800xi32, #tpu.memory_space<smem>>
      %dma_wait3A_65 = tpu.memref_slice %arg10[%rem3A_51] : memref<8x!tpu.dma_semaphore, #tpu.memory_space<semaphore_mem>> -> memref<1x!tpu.dma_semaphore, #tpu.memory_space<semaphore_mem>>
      %dma_wait3A_66 = tpu.memref_squeeze %dma_wait3A_65 : memref<1x!tpu.dma_semaphore, #tpu.memory_space<semaphore_mem>> -> memref<!tpu.dma_semaphore, #tpu.memory_space<semaphore_mem>>
      %dma_wait3A_67 = arith.constant 0 : i32
      %dma_wait3A_68 = arith.constant 0 : i32
      %dma_wait3A_69 = tpu.memref_slice %arg8[%rem3A_51, %dma_wait3A_67, %dma_wait3A_68] : memref<8x128x128xf32, #tpu.memory_space<vmem>> -> memref<1x128x128xf32, #tpu.memory_space<vmem>>
      %dma_wait3A_70 = tpu.memref_squeeze %dma_wait3A_69 : memref<1x128x128xf32, #tpu.memory_space<vmem>> -> memref<128x128xf32, #tpu.memory_space<vmem>>
      %dma_wait3A_71 = arith.constant 0 : i32
      %dma_wait3A_72 = arith.constant 0 : i32
      %dma_wait3A_73 = tpu.memref_slice %arg4[%get3A_64, %dma_wait3A_71, %dma_wait3A_72] : memref<800x128x128xf32, #tpu.memory_space<any>> -> memref<1x128x128xf32, #tpu.memory_space<any>>
      %dma_wait3A_74 = tpu.memref_squeeze %dma_wait3A_73 : memref<1x128x128xf32, #tpu.memory_space<any>> -> memref<128x128xf32, #tpu.memory_space<any>>
      tpu.wait_dma2 semaphore(%dma_wait3A_66 : memref<!tpu.dma_semaphore, #tpu.memory_space<semaphore_mem>>) src(%dma_wait3A_74 : memref<128x128xf32, #tpu.memory_space<any>>) dst(%dma_wait3A_70 : memref<128x128xf32, #tpu.memory_space<vmem>>)
      %get3A_75 = arith.index_cast %rem3A_51 : i32 to index
      %get3A_76 = arith.constant 0 : index
      %get3A_77 = arith.constant 0 : index
      %get3A_78 = vector.load %arg7[%get3A_75, %get3A_76, %get3A_77] : memref<8x128x128xf32, #tpu.memory_space<vmem>>, vector<1x128x128xf32>
      %get3A_79 = vector.shape_cast %get3A_78 : vector<1x128x128xf32> to vector<128x128xf32>
      %get3A_80 = arith.index_cast %rem3A_51 : i32 to index
      %get3A_81 = arith.constant 0 : index
      %get3A_82 = arith.constant 0 : index
      %get3A_83 = vector.load %arg8[%get3A_80, %get3A_81, %get3A_82] : memref<8x128x128xf32, #tpu.memory_space<vmem>>, vector<1x128x128xf32>
      %get3A_84 = vector.shape_cast %get3A_83 : vector<1x128x128xf32> to vector<128x128xf32>
      %mul3A_85 = arith.constant 1.44269502 : f32
      %mul3A_86 = vector.broadcast %mul3A_85 : f32 to vector<128x128xf32>
      %mul3A_87 = arith.mulf %get3A_79, %mul3A_86 : vector<128x128xf32>
      %exp23A = math.exp2 %mul3A_87 : vector<128x128xf32>
      %add3A_88 = arith.constant 1.000000e+00 : f32
      %add3A_89 = vector.broadcast %add3A_88 : f32 to vector<128x128xf32>
      %add3A_90 = arith.addf %add3A_89, %exp23A : vector<128x128xf32>
      %log3A = math.log %add3A_90 : vector<128x128xf32>
      %log3A_91 = arith.constant 2.000000e+00 : f32
      %log3A_92 = math.log %log3A_91 : f32
      %div3A_93 = vector.broadcast %log3A_92 : f32 to vector<128x128xf32>
      %div3A_94 = arith.divf %log3A, %div3A_93 : vector<128x128xf32>
      %ge3A_95 = arith.constant 5.000000e-01 : f32
      %ge3A_96 = vector.broadcast %ge3A_95 : f32 to vector<128x128xf32>
      %ge3A_97 = arith.cmpf oge, %get3A_84, %ge3A_96 : vector<128x128xf32>
      %jit3A_98 = arith.constant 0.000000e+00 : f32
      %broadcast_in_dim3A_99 = vector.broadcast %jit3A_98 : f32 to vector<128x128xf32>
      %select_n3A_100 = arith.select %ge3A_97, %mul3A_87, %broadcast_in_dim3A_99 : vector<128x128xi1>, vector<128x128xf32>
      %sub3A = arith.subf %div3A_94, %select_n3A_100 : vector<128x128xf32>
      %add3A_101 = arith.constant 8 : i32
      %add3A_102 = arith.addi %while3A_49, %add3A_101 : i32
      %lt3A = arith.cmpi slt, %add3A_102, %get3A_0 : i32
      %convert_element_type3A_103 = arith.extui %lt3A : i1 to i32
      %cond3A = arith.constant 0 : i32
      %cond3A_104 = arith.cmpi ne, %convert_element_type3A_103, %cond3A : i32
      scf.if %cond3A_104 {
        %add3A_106 = arith.constant 8 : i32
        %add3A_107 = arith.addi %while3A_49, %add3A_106 : i32
        %rem3A_108 = arith.constant 8 : i32
        %rem3A_109 = arith.remsi %add3A_107, %rem3A_108 : i32
        %get3A_110 = arith.index_cast %add3A_107 : i32 to index
        %get3A_111 = memref.load %arg1[%get3A_110] : memref<800xi32, #tpu.memory_space<smem>>
        %dma_start3A = tpu.memref_slice %arg9[%rem3A_109] : memref<8x!tpu.dma_semaphore, #tpu.memory_space<semaphore_mem>> -> memref<1x!tpu.dma_semaphore, #tpu.memory_space<semaphore_mem>>
        %dma_start3A_112 = tpu.memref_squeeze %dma_start3A : memref<1x!tpu.dma_semaphore, #tpu.memory_space<semaphore_mem>> -> memref<!tpu.dma_semaphore, #tpu.memory_space<semaphore_mem>>
        %dma_start3A_113 = arith.constant 0 : i32
        %dma_start3A_114 = arith.constant 0 : i32
        %dma_start3A_115 = tpu.memref_slice %arg7[%rem3A_109, %dma_start3A_113, %dma_start3A_114] : memref<8x128x128xf32, #tpu.memory_space<vmem>> -> memref<1x128x128xf32, #tpu.memory_space<vmem>>
        %dma_start3A_116 = tpu.memref_squeeze %dma_start3A_115 : memref<1x128x128xf32, #tpu.memory_space<vmem>> -> memref<128x128xf32, #tpu.memory_space<vmem>>
        %dma_start3A_117 = arith.constant 0 : i32
        %dma_start3A_118 = arith.constant 0 : i32
        %dma_start3A_119 = tpu.memref_slice %arg3[%get3A_111, %dma_start3A_117, %dma_start3A_118] : memref<800x128x128xf32, #tpu.memory_space<any>> -> memref<1x128x128xf32, #tpu.memory_space<any>>
        %dma_start3A_120 = tpu.memref_squeeze %dma_start3A_119 : memref<1x128x128xf32, #tpu.memory_space<any>> -> memref<128x128xf32, #tpu.memory_space<any>>
        tpu.enqueue_dma source(%dma_start3A_120 : memref<128x128xf32, #tpu.memory_space<any>>) target(%dma_start3A_116 : memref<128x128xf32, #tpu.memory_space<vmem>>) target_semaphore(%dma_start3A_112 : memref<!tpu.dma_semaphore, #tpu.memory_space<semaphore_mem>>)
        %dma_start3A_121 = tpu.memref_slice %arg10[%rem3A_109] : memref<8x!tpu.dma_semaphore, #tpu.memory_space<semaphore_mem>> -> memref<1x!tpu.dma_semaphore, #tpu.memory_space<semaphore_mem>>
        %dma_start3A_122 = tpu.memref_squeeze %dma_start3A_121 : memref<1x!tpu.dma_semaphore, #tpu.memory_space<semaphore_mem>> -> memref<!tpu.dma_semaphore, #tpu.memory_space<semaphore_mem>>
        %dma_start3A_123 = arith.constant 0 : i32
        %dma_start3A_124 = arith.constant 0 : i32
        %dma_start3A_125 = tpu.memref_slice %arg8[%rem3A_109, %dma_start3A_123, %dma_start3A_124] : memref<8x128x128xf32, #tpu.memory_space<vmem>> -> memref<1x128x128xf32, #tpu.memory_space<vmem>>
        %dma_start3A_126 = tpu.memref_squeeze %dma_start3A_125 : memref<1x128x128xf32, #tpu.memory_space<vmem>> -> memref<128x128xf32, #tpu.memory_space<vmem>>
        %dma_start3A_127 = arith.constant 0 : i32
        %dma_start3A_128 = arith.constant 0 : i32
        %dma_start3A_129 = tpu.memref_slice %arg4[%get3A_111, %dma_start3A_127, %dma_start3A_128] : memref<800x128x128xf32, #tpu.memory_space<any>> -> memref<1x128x128xf32, #tpu.memory_space<any>>
        %dma_start3A_130 = tpu.memref_squeeze %dma_start3A_129 : memref<1x128x128xf32, #tpu.memory_space<any>> -> memref<128x128xf32, #tpu.memory_space<any>>
        tpu.enqueue_dma source(%dma_start3A_130 : memref<128x128xf32, #tpu.memory_space<any>>) target(%dma_start3A_126 : memref<128x128xf32, #tpu.memory_space<vmem>>) target_semaphore(%dma_start3A_122 : memref<!tpu.dma_semaphore, #tpu.memory_space<semaphore_mem>>)
      } else {
      }
      %add3A_105 = arith.addf %while3A_50, %sub3A : vector<128x128xf32>
      scf.yield %add3A_105 : vector<128x128xf32>
    }
    %get3A_16 = arith.constant 0 : index
    %get3A_17 = arith.constant 0 : index
    %get3A_18 = vector.load %arg5[%get3A_16, %get3A_17] : memref<8x128xf32, #tpu.memory_space<vmem>>, vector<8x128xf32>
    %gt3A = arith.constant 0.000000e+00 : f32
    %gt3A_19 = vector.broadcast %gt3A : f32 to vector<8x128xf32>
    %gt3A_20 = arith.cmpf ogt, %get3A_18, %gt3A_19 : vector<8x128xf32>
    %convert_element_type3A = arith.extui %gt3A_20 : vector<8x128xi1> to vector<8x128xi32>
    %convert_element_type3A_21 = arith.sitofp %convert_element_type3A : vector<8x128xi32> to vector<8x128xf32>
    %iota3A = tpu.iota {dimensions = array<i32: 0>} : vector<8x128xi32>
    %mul3A = arith.constant 128 : i32
    %mul3A_22 = vector.broadcast %mul3A : i32 to vector<8x128xi32>
    %mul3A_23 = arith.muli %iota3A, %mul3A_22 : vector<8x128xi32>
    %iota3A_24 = tpu.iota {dimensions = array<i32: 1>} : vector<8x128xi32>
    %add3A = arith.addi %mul3A_23, %iota3A_24 : vector<8x128xi32>
    %reduce_sum3A = vector.shape_cast %convert_element_type3A_21 : vector<8x128xf32> to vector<1x8x128xf32>
    %reduce_sum3A_25 = arith.constant dense<0.000000e+00> : vector<1xf32>
    %reduce_sum3A_26 = vector.multi_reduction <add>, %reduce_sum3A, %reduce_sum3A_25 [1, 2] : vector<1x8x128xf32> to vector<1xf32>
    %reduce_sum3A_27 = vector.shape_cast %reduce_sum3A_26 : vector<1xf32> to vector<1x1x1xf32>
    %reduce_sum3A_28 = vector.extract %reduce_sum3A_27[0, 0, 0] : f32 from vector<1x1x1xf32>
    %ge3A = arith.constant 800 : i32
    %ge3A_29 = vector.broadcast %ge3A : i32 to vector<8x128xi32>
    %ge3A_30 = arith.cmpi sge, %add3A, %ge3A_29 : vector<8x128xi32>
    %jit3A = arith.constant 0.000000e+00 : f32
    %broadcast_in_dim3A_31 = vector.broadcast %jit3A : f32 to vector<8x128xf32>
    %select_n3A = arith.select %ge3A_30, %convert_element_type3A_21, %broadcast_in_dim3A_31 : vector<8x128xi1>, vector<8x128xf32>
    %reduce_sum3A_32 = vector.shape_cast %select_n3A : vector<8x128xf32> to vector<1x8x128xf32>
    %reduce_sum3A_33 = arith.constant dense<0.000000e+00> : vector<1xf32>
    %reduce_sum3A_34 = vector.multi_reduction <add>, %reduce_sum3A_32, %reduce_sum3A_33 [1, 2] : vector<1x8x128xf32> to vector<1xf32>
    %reduce_sum3A_35 = vector.shape_cast %reduce_sum3A_34 : vector<1xf32> to vector<1x1x1xf32>
    %reduce_sum3A_36 = vector.extract %reduce_sum3A_35[0, 0, 0] : f32 from vector<1x1x1xf32>
    %reduce_sum3A_37 = vector.shape_cast %while3A_15 : vector<128x128xf32> to vector<1x128x128xf32>
    %reduce_sum3A_38 = arith.constant dense<0.000000e+00> : vector<1xf32>
    %reduce_sum3A_39 = vector.multi_reduction <add>, %reduce_sum3A_37, %reduce_sum3A_38 [1, 2] : vector<1x128x128xf32> to vector<1xf32>
    %reduce_sum3A_40 = vector.shape_cast %reduce_sum3A_39 : vector<1xf32> to vector<1x1x1xf32>
    %reduce_sum3A_41 = vector.extract %reduce_sum3A_40[0, 0, 0] : f32 from vector<1x1x1xf32>
    %mul3A_42 = arith.constant 0.693147182 : f32
    %mul3A_43 = arith.mulf %mul3A_42, %reduce_sum3A_41 : f32
    %mul3A_44 = arith.constant 11356.5234 : f32
    %mul3A_45 = arith.mulf %reduce_sum3A_36, %mul3A_44 : f32
    %add3A_46 = arith.addf %mul3A_43, %mul3A_45 : f32
    %div3A = arith.divf %add3A_46, %reduce_sum3A_28 : f32
    %reshape3A = vector.broadcast %div3A : f32 to vector<1x1xf32>
    %swap3A = arith.constant 0 : index
    %swap3A_47 = arith.constant 0 : index
    %swap3A_48 = vector.load %arg6[%swap3A, %swap3A_47] : memref<1x1xf32, #tpu.memory_space<vmem>>, vector<1x1xf32>
    tpu.vector_store %arg6[%swap3A, %swap3A_47], %reshape3A {strides = array<i32>} : memref<1x1xf32, #tpu.memory_space<vmem>>, vector<1x1xf32>,
    return
  }
  func.func @transform_2(%arg0: i32, %arg1: memref<800xi32, #tpu.memory_space<smem>>, %arg2: memref<1xi32, #tpu.memory_space<smem>>) -> (i32, i32) {
    %c0_i32 = arith.constant 0 : i32
    %c0_i32_0 = arith.constant 0 : i32
    %c0_i32_1 = arith.constant 0 : i32
    return %c0_i32, %c0_i32_0 : i32, i32
  }
  func.func @transform_3(%arg0: i32, %arg1: memref<800xi32, #tpu.memory_space<smem>>, %arg2: memref<1xi32, #tpu.memory_space<smem>>) -> (i32, i32) {
    %c0_i32 = arith.constant 0 : i32
    %c0_i32_0 = arith.constant 0 : i32
    %c0_i32_1 = arith.constant 0 : i32
    return %c0_i32, %c0_i32_0 : i32, i32
  }
}

</mosaic_0001>

<sc_bundles>
// kernel: scatter_offload_async_start
scs
__scs_entry_jumppad:
0x0: {  	(pc) =	sbr.rel $0x88, $3  }
0x1: {  	(tag) =	ssettag $0x0;
	lr =	simm.s32 $0x1  }
0x2: {  	[smem:$0x3F9E] =	sst lr;
	_ =	strace $0xD0000000  }
0x3: {  	_ = 	snop  }
0x4: {  	_ = 	snop  }
0x5: {  	_ = 	snop  }
0x6: {  	_ = 	snop  }
0x7: {  	_ = 	snop  }
__scs_overlays_trampoline_lowered:
0x8: {  	[smem:$0x3FAD] =	sst s0  }
0x9: {  	[smem:$0x3FAE] =	sst s1  }
0xa: {  	[smem:$0x3FAF] =	sst s2  }
0xb: {  	[smem:$0x3FB0] =	sst s3  }
0xc: {  	[smem:$0x3FB1] =	sst s4  }
0xd: {  	[smem:$0x3FB2] =	sst s5  }
0xe: {  	[smem:$0x3FB3] =	sst s6  }
0xf: {  	[smem:$0x3FB4] =	sst s7  }
0x10: {  	[smem:$0x3FB5] =	sst s8  }
0x11: {  	[smem:$0x3FB6] =	sst s9;
	s0 =	simm.s32 @!p0 $0x0  }
0x12: {  	s1 =	sld [smem:$0x3F9C];
	s0 =	simm.s32 @p0 $0x1  }
0x13: {  	[smem:$0x3FB7] =	sst s0;
	s0 =	simm.s32 @!p1 $0x0  }
0x14: {  	s2 =	sld [smem:$0x3F9B];
	s0 =	simm.s32 @p1 $0x1  }
0x15: {  	[smem:$0x3FB8] =	sst s0;
	s0 =	simm.s32 @!p2 $0x0  }
0x16: {  	s3 =	sld [smem:$0x3FDB];
	s0 =	simm.s32 @p2 $0x1  }
0x17: {  	s4 =	simm.s32 $0x1BF5;
	[smem:$0x3FBA] =	sst s0  }
0x18: {  	s0 =	sld [smem:$0x3F9D];
	_ =	swait.ge [sflag:s4], $0x0  }
0x19: {  	s7 =	sld [smem:$0x3F9E]  }
0x1a: {  	s8 =	sadd.s32 $0xFFFFE003, lr  }
0x1b: {  	s9 =	sadd.s32 $0xFFFFFEF7, lr;
	s5 =	simm.s32 $0xFFFFFFFF;
	p2 =	slt.u32 s8, $0xFFFFF086  }
0x1c: {  	p1 =	slt.u32 s9, $0xF7A;
	s5 =	simm.s32 @!p2 $0x0  }
0x1d: {  	s5 =	simm.s32 @p1 $0x1;
	p0 =	seq.s32 s7, s2  }
0x1e: {  	s7 =	smul.u32 @!p0 $0xF7A, s2;
	p2 =	seq.s32 @!p0 s5, $0x0  }
0x1f: {  	s9 =	smul.u32 $0xF7A, s1;
	s8 =	simm.s32 @!p0 $0x1BF5;
	p2 =	por !p2, p0  }
0x20: {  	[sflag:s8] =	ssyncset.s32 @!p0 $0xFFFFF086;
	s6 =	sadd.s32 @!p0 s3, s7;
	s7 =	simm.s32 @!p0 $0x108  }
0x21: {  	s3 =	sadd.s32 s3, s9;
	s6 =	sadd.s32 @!p0 $0x88, s6;
	s7 =	simm.s32 @p2 $0x1082  }
0x22: {  	[simem:s7], [sflag:s8] =	dma.local @!p0 [hbm:s6], $0xF7A  }
0x23: {  	s9 =	sor.u32 $0xD0000000, s2;
	s6 =	simm.s32 $0x108;
	_ =	swait.ge @!p0 [sflag:s8], $0x0  }
0x24: {  	s3 =	sadd.s32 $0x88, s3;
	s6 =	simm.s32 @!p1 $0x1082;
	[sflag:s4] =	ssyncset.s32 $0xFFFFF086  }
0x25: {  	[simem:s6], [sflag:s4] =	dma.local [hbm:s3], $0xF7A  }
0x26: {  	[smem:$0x3F9E] =	sst s1;
	(tag) =	ssettag s2;
	_ =	strace s9  }
0x27: {  	s1 =	sld [smem:$0x3FAE]  }
0x28: {  	s2 =	sld [smem:$0x3FAF]  }
0x29: {  	s4 =	sld [smem:$0x3FB1]  }
0x2a: {  	p0 =	seq.s32 s5, $0x0;
	s5 =	sld [smem:$0x3FB2]  }
0x2b: {  	s6 =	sld [smem:$0x3FB3]  }
0x2c: {  	s7 =	sld [smem:$0x3FB4]  }
0x2d: {  	s3 =	simm.s32 $0x108;
	s8 =	sld [smem:$0x3FB5]  }
0x2e: {  	s3 =	simm.s32 @!p0 $0x1082;
	s9 =	sld [smem:$0x3FB6]  }
0x2f: {  	lr =	sadd.s32 s0, s3;
	s0 =	sld [smem:$0x3FAD]  }
0x30: {  	s3 =	sld [smem:$0x3FB0]  }
0x31: {  	[smem:$0x3FB9] =	sst s10  }
0x32: {  	s10 =	sld [smem:$0x3FB7];
	_ =	sdelay $0x3  }
0x33: {  	p0 =	seq.s32 s10, $0x1;
	s10 =	sld [smem:$0x3FB9];
	_ =	sdelay $0x3  }
0x34: {  	[smem:$0x3FB9] =	sst s10  }
0x35: {  	s10 =	sld [smem:$0x3FB8];
	_ =	sdelay $0x3  }
0x36: {  	p1 =	seq.s32 s10, $0x1;
	s10 =	sld [smem:$0x3FB9];
	_ =	sdelay $0x3  }
0x37: {  	[smem:$0x3FB9] =	sst s10  }
0x38: {  	s10 =	sld [smem:$0x3FBA]  }
0x39: {  	_ = 	snop;
	(pc) =	sbr.ind lr, $3  }
0x3a: {  	_ = 	snop  }
0x3b: {  	_ = 	snop  }
0x3c: {  	p2 =	seq.s32 s10, $0x1;
	s10 =	sld [smem:$0x3FB9]  }
0x3d: {  	_ =	shalt  }
0x3e: {  	_ =	shalt  }
0x3f: {  	_ =	shalt  }
0x40: {  	_ =	shalt  }
0x41: {  	_ =	shalt  }
0x42: {  	_ =	shalt  }
0x43: {  	_ =	shalt  }
0x44: {  	_ =	shalt  }
0x45: {  	_ =	shalt  }
0x46: {  	_ =	shalt  }
0x47: {  	_ =	shalt  }
0x48: {  	_ =	shalt  }
0x49: {  	_ =	shalt  }
0x4a: {  	_ =	shalt  }
0x4b: {  	_ =	shalt  }
0x4c: {  	_ =	shalt  }
0x4d: {  	_ =	shalt  }
0x4e: {  	_ =	shalt  }
0x4f: {  	_ =	shalt  }
0x50: {  	_ =	shalt  }
0x51: {  	_ =	shalt  }
0x52: {  	_ =	shalt  }
0x53: {  	_ =	shalt  }
0x54: {  	_ =	shalt  }
0x55: {  	_ =	shalt  }
0x56: {  	_ =	shalt  }
0x57: {  	_ =	shalt  }
0x58: {  	_ =	shalt  }
0x59: {  	_ =	shalt  }
0x5a: {  	_ =	shalt  }
0x5b: {  	_ =	shalt  }
0x5c: {  	_ =	shalt  }
0x5d: {  	_ =	shalt  }
0x5e: {  	_ =	shalt  }
0x5f: {  	_ =	shalt  }
0x60: {  	_ =	shalt  }
0x61: {  	_ =	shalt  }
0x62: {  	_ =	shalt  }
0x63: {  	_ =	shalt  }
0x64: {  	_ =	shalt  }
0x65: {  	_ =	shalt  }
0x66: {  	_ =	shalt  }
0x67: {  	_ =	shalt  }
0x68: {  	_ =	shalt  }
0x69: {  	_ =	shalt  }
0x6a: {  	_ =	shalt  }
0x6b: {  	_ =	shalt  }
0x6c: {  	_ =	shalt  }
0x6d: {  	_ =	shalt  }
0x6e: {  	_ =	shalt  }
0x6f: {  	_ =	shalt  }
0x70: {  	_ =	shalt  }
0x71: {  	_ =	shalt  }
0x72: {  	_ =	shalt  }
0x73: {  	_ =	shalt  }
0x74: {  	_ =	shalt  }
0x75: {  	_ =	shalt  }
0x76: {  	_ =	shalt  }
0x77: {  	_ =	shalt  }
0x78: {  	_ =	shalt  }
0x79: {  	_ =	shalt  }
0x7a: {  	_ =	shalt  }
0x7b: {  	_ =	shalt  }
0x7c: {  	_ =	shalt  }
0x7d: {  	_ =	shalt  }
0x7e: {  	_ =	shalt  }
0x7f: {  	_ =	shalt  }
0x80: {  	_ =	shalt  }
0x81: {  	_ =	shalt  }
0x82: {  	_ =	shalt  }
0x83: {  	_ =	shalt  }
0x84: {  	_ =	shalt  }
0x85: {  	_ =	shalt  }
0x86: {  	_ =	shalt  }
0x87: {  	_ =	shalt  }
.Lfunc_end0:
.L_simem_size_0:
called_computation_lowered:
.L_overlay_start_0:
0x88: {  	s0 =	sld [smem:$0x3FD9]  }
0x89: {  	s1 =	sld [smem:$0x3FFE];
	_ =	sdelay $0x3  }
0x8a: {  	s0 =	sadd.s32 s1, s0  }
0x8b: {  	[smem:$0x3FC5] =	sst s0  }
0x8c: {  	_ = 	snop  }
0x8d: {  	(tm) =	ssettm $0x1  }
0x8e: {  	s15 =	sld [smem:$0x3FFB];
	_ =	sdelay $0x3  }
0x8f: {  	_ =	strace s15  }
0x90: {  	s0 =	sld [smem:$0x3FFC];
	_ =	sdelay $0x3  }
0x91: {  	_ =	strace s0  }
0x92: {  	s0 =	sld [smem:$0x3FFD];
	_ =	sdelay $0x3  }
0x93: {  	_ =	strace s0  }
0x94: {  	_ =	strace $0x8FFFFFFF  }
0x95: {  	s16 =	sld [smem:$0x3FDB];
	_ =	sdelay $0x1  }
0x96: {  	s17 =	simm.s32 $_scs_section_size  }
0x97: {  	s2 =	simm.s32 $_size__tile_overlayer_lowered;
	s3 =	simm.s32 $_tile_overlayer_lowered  }
0x98: {  	s20 =	simm.s32 $0x1BFF;
	s19 =	sshll.u32 s3, $0x1;
	s0 =	sadd.s32 s17, s16  }
0x99: {  	s4 =	simm.s32 $0x0;
	s18 =	sshll.u32 s2, $0x1;
	s2 =	sadd.s32 s19, s0  }
0x9a: {  	[timem:s4], [sflag:s20] =	dma.local [hbm:s2], s18  }
0x9b: {  	_ =	swait.ge [sflag:s20], s18  }
0x9c: {  	s1 =	ssub.s32 $0x0, s18;
	[sflag:s20] =	ssyncset.done $0x0  }
0x9d: {  	[sflag:s20] =	ssyncadd.s32 s1;
	_ =	sdelay $0x1  }
0x9e: {  	s21 =	simm.s32 $0x1B8B  }
0x9f: {  	_ =	swait.ge [sflag:s21], $0x1  }
0xa0: {  	[sflag:s21] =	ssyncset.done $0x0  }
0xa1: {  	s23 =	simm.s32 $0x1B8E;
	s22 =	sld [smem:$0x3FFE];
	[sflag:s21] =	ssyncadd.s32 $0xFFFFFFFF  }
0xa2: {  	s24 =	simm.s32 $execute0_lowered;
	[smem:$0x3FD2] =	sst s23  }
0xa3: {  	s2 =	sshll.u32 s24, $0x1;
	_ =	strace $0x80000046;
	[dreg:$0x1] =	wrdreg $0xFFFFFFFF  }
0xa4: {  	s25 =	simm.s32 $_size_execute0_lowered;
	s0 =	sadd.s32 s0, s2;
	[dreg:$0x0] =	wrdreg $0x0  }
0xa5: {  	s2 =	sshll.u32 s25, $0x1;
	[dreg:$0x2] =	wrdreg s0  }
0xa6: {  	[dreg:$0x3] =	wrdreg s2  }
0xa7: {  	[dreg:$0x4] =	wrdreg $0xC0  }
0xa8: {  	_ =	task [dreg:s4], $0x5FFFF  }
0xa9: {  	[dreg:$0x1] =	wrdreg $0xFFFFFFFF  }
0xaa: {  	[dreg:$0x0] =	wrdreg $0x60  }
0xab: {  	[dreg:$0x2] =	wrdreg s22  }
0xac: {  	[dreg:$0x3] =	wrdreg $0x9  }
0xad: {  	_ =	task.clear_ibuf [dreg:s4], $0x4FFFF;
	_ =	strace $0x90000046  }
0xae: {  	s26 =	simm.s32 $0x9;
	_ =	strace $0x80000048  }
0xaf: {  	_ =	swait.ge [sflag:s26], $0x1  }
0xb0: {  	[sflag:s26] =	ssyncadd.s32 $0xFFFFFFFF  }
0xb1: {  	_ =	strace $0x90000048  }
0xb2: {  	_ =	sfence  }
0xb3: {  	s28 =	sld [smem:$0x0];
	_ =	sdelay $0x1  }
0xb4: {  	s29 =	srdreg.scid  }
0xb5: {  	s30 =	sshll.u32 s29, $0xD;
	s31 =	sshrl.u32 s29, $0x2  }
0xb6: {  	s1 =	sand.u32 $0x1, s29;
	s2 =	sand.u32 $0x4000, s30;
	s0 =	sadd.s32 s31, s28  }
0xb7: {  	s1 =	sor.u32 s2, s1;
	s0 =	sshll.u32 s0, $0x11  }
0xb8: {  	s0 =	sor.u32 s0, s1  }
0xb9: {  	s0 =	sadd.s32 $0x8F2B, s0  }
0xba: {  	[sflag:s0] =	ssyncadd.remote.s32 $0x1  }
0xbb: {  	_ =	sfence.sel $0xFFFF  }
0xbc: {  	[dreg:$0x0] =	wrdreg $0xFFFFFFFF;
	(pc) =	sbr.abs _section_cstart, $3  }
0xbd: {  	[dreg:$0x1] =	wrdreg $0xFFFFFFFF  }
0xbe: {  	_ =	task.clear_ibuf [dreg:s4], $0x2FFFF;
	_ =	strace $0x9FFFFFFF  }
0xbf: {  	(tm) =	ssettm $0x7FFFFFFF  }
tec
execute0_lowered:
.L_overlay_start_1:
0x0: {  	(tag) =	ssettag $0x1  }
0x1: {  	s4 =	rddreg [dreg:$0x0]  }
0x2: {  	s0 =	rddreg [dreg:$0x1]  }
0x3: {  	_ =	strace $0x80000047;
	s3 =	stileid.u32;
	s6 =	simm.s32 $0x3E  }
0x4: {  	s1 =	sadd.s32 $0x600, s4;
	p0 =	sne.s32 s3, $0x0;
	[sflag:s6] =	ssyncpa.u1 $0x0  }
0x5: {  	s31 =	smin.u32 s3, $0x9;
	s5 =	simm.s32 @!p0 $0x1C3E;
	s2 =	simm.s32 @!p0 $0x0  }
0x6: {  	[spmem:s2], [sflag:s5] =	dma.local @!p0 [hbm:s1], $0x80  }
0x7: {  	p1 =	slt.u32 s3, $0x9;
	s5 =	sadd.s32 s3, s31;
	s3 =	simm.s32 $0x40  }
0x8: {  	s5 =	sshll.u32 s5, $0x5;
	s3 =	simm.s32 @!p1 $0x20  }
0x9: {  	s3 =	sadd.s32 s3, s5  }
0xa: {  	s8 =	smin.u32 s3, $0x320  }
0xb: {  	s9 =	ssub.s32 s8, s5  }
0xc: {  	p1 =	sgt.s32 s9, $0x0  }
0xd: {  	s7 =	simm.s32 @!p0 $0x3E;
	s9 =	simm.s32 @!p1 $0x0  }
0xe: {  	_ =	swait.ge @!p0 [sflag:s7], $0x80;
	s10 =	sshrl.u32 s9, $0x5  }
0xf: {  	[sflag:s7] =	ssyncset.done @!p0 $0x0;
	s11 =	sadd.s32 $0x1, s10  }
0x10: {  	p2 =	por $0x0, $0x0;
	[sflag:s7] =	ssyncadd.s32 @!p0 $0xFFFFFF80;
	p1 =	sne.s32 s11, $0x1  }
.Ltmp0:
0x11: {  	s7 =	sadd.s32 $0x200, s4;
	[bflag:$0x0] =	sbarrier.arrive $0xFFFF;
	(pc) =	sbr.rel @!p1 .LBB2_1-.Ltmp0, $4  }
0x12: {  	s3 =	simm.s32 $0x1;
	[sflag:s6] =	ssyncpa.u1 $0x1;
	s6 =	sadd.s32 $0x400, s4  }
0x13: {  	s4 =	simm.s32 $0x2;
	s9 =	simm.s32 $0x0;
	p3 =	sle.u32 s10, $0x0  }
0x14: {  	[sflag:s3] =	ssyncpa.u1 $0x0;
	(ifvalue) =	ssetifvalue $0x400;
	s12 =	sxor.u32 @!p3 $0xFFFFFFFF, s9  }
0x15: {  	[sflag:s4] =	ssyncpa.u1 $0x0;
	s17 =	sshrl.u32 @!p3 s5, $0x3;
	s16 =	sand.u32 @!p3 $0x20, s12  }
0x16: {  	s12 =	sadd.s32 @!p3 s7, s17  }
0x17: {  	s13 =	sor.u32 @!p3 $0x40, s16;
	s14 =	sand.u32 @!p3 $0x7, s5;
	p1 =	por $0x1, $0x1  }
0x18: {  	[tilespmem:s13], [sflag:$0x2] =	stream.linear.gather @!p3 [hbm4b:s12+s14], $0x20, $0x38;
	[tilespmem:$0xC0] =	vst v63  }
0x19: {  	s12 =	sadd.s32 @!p3 s6, s17;
	s13 =	sor.u32 @!p3 $0x80, s16;
	s15 =	simm.s32 @!p1 $0x2  }
0x1a: {  	[tilespmem:s13], [sflag:$0x2] =	stream.linear.gather @!p3 [hbm4b:s12+s14], $0x20, $0x38;
	[tilespmem:$0xC0] =	vst v63  }
0x1b: {  	_ =	swait.ge @!p1 [sflag:s15], $0x40  }
0x1c: {  	s9 =	sand.u32 @!p1 $0x20, s9;
	[sflag:s15] =	ssyncset.done @!p1 $0x0  }
0x1d: {  	s12 =	sor.u32 @!p1 $0x40, s9;
	[sflag:s15] =	ssyncadd.s32 @!p1 $0xFFFFFFC0  }
0x1e: {  	v0 =	vld.msk @!p1 [tilespmem:s12+$0x0 ss:$0x1], $0xffff;
	_ =	sdelay $0x4  }
0x1f: {  	v0 =	vmin.u32 @!p1 v0, $0x400;
	_ =	sdelay $0x3  }
0x20: {  	vm0 =	vmmov @!p1 $0xffff;
	s13 =	sor.u32 @!p1 $0x50, s9;
	s15 =	simm.s32 @!p1 $0x0;
	s12 =	sor.u32 @!p1 $0x80, s9  }
0x21: {  	[spmem:s15] =	stream.indirect_vreg.scatter.add.s32 @!p1 [tilespmem:s12], [sflag:$0x1], $0x1, v0, vm0, $0x4038;
	[tilespmem:$0xC0] =	vst v63  }
0x22: {  	v0 =	vld.msk @!p1 [tilespmem:s13+$0x0 ss:$0x1], $0xffff;
	_ =	sdelay $0x3  }
0x23: {  	p4 =	sne.s32 s11, $0x2  }
.Ltmp1:
0x24: {  	s16 =	sadd.s32 $0x20, s5;
	v0 =	vmin.u32 @!p1 v0, $0x400;
	(pc) =	sbr.rel @!p4 .LBB2_3-.Ltmp1, $4  }
0x25: {  	s18 =	simm.s32 @!p1 $0x1;
	p2 =	slt.s32 s16, s8;
	s14 =	sor.u32 @!p1 $0x90, s9  }
0x26: {  	p3 =	sle.u32 s10, $0x1;
	s9 =	simm.s32 $0x20;
	s13 =	smov.u32 s5  }
0x27: {  	s17 =	sxor.u32 @!p3 $0xFFFFFFFF, s9;
	s12 =	simm.s32 $0x2;
	s13 =	smov.u32 @p2 s16  }
0x28: {  	s16 =	sand.u32 @!p3 $0x20, s17;
	p2 =	por $0x1, $0x1;
	s17 =	sshrl.u32 @!p3 s13, $0x3  }
.LBB2_4:
0x29: {  	[spmem:s15] =	stream.indirect_vreg.scatter.add.s32 @!p1 [tilespmem:s14], [sflag:$0x1], $0x1, v0, vm0, $0x4038;
	[tilespmem:$0xC0] =	vst v63  }
0x2a: {  	s14 =	sadd.s32 @!p3 s7, s17;
	s15 =	sor.u32 @!p3 $0x40, s16;
	_ =	swait.ge @!p1 [sflag:s18], $0x20  }
0x2b: {  	s19 =	smov.u32 s12;
	s12 =	sadd.s32 $0x1, s12;
	[sflag:s18] =	ssyncset.done @!p1 $0x0  }
0x2c: {  	s20 =	sand.u32 @!p3 $0x7, s13;
	p4 =	sne.s32 s11, s12;
	[sflag:s18] =	ssyncadd.s32 @!p1 $0xFFFFFFE0  }
0x2d: {  	[tilespmem:s15], [sflag:$0x2] =	stream.linear.gather @!p3 [hbm4b:s14+s20], $0x20, $0x38;
	[tilespmem:$0xC0] =	vst v63  }
0x2e: {  	p1 =	seq.s32 s9, $0x0;
	s14 =	sadd.s32 @!p3 s6, s17;
	s15 =	sor.u32 @!p3 $0x80, s16  }
0x2f: {  	s16 =	simm.s32 @!p1 $0x2;
	s17 =	sand.u32 @!p1 $0x20, s9  }
0x30: {  	[tilespmem:s15], [sflag:$0x2] =	stream.linear.gather @!p3 [hbm4b:s14+s20], $0x20, $0x38;
	[tilespmem:$0xC0] =	vst v63  }
0x31: {  	s18 =	sor.u32 @!p1 $0x80, s17;
	s15 =	sor.u32 @!p1 $0x40, s17;
	_ =	swait.ge @!p1 [sflag:s16], $0x40  }
0x32: {  	s20 =	sor.u32 @!p1 $0x50, s17;
	s14 =	sor.u32 @!p1 $0x90, s17;
	[sflag:s16] =	ssyncset.done @!p1 $0x0  }
0x33: {  	[sflag:s16] =	ssyncadd.s32 @!p1 $0xFFFFFFC0  }
0x34: {  	v0 =	vld.msk @!p1 [tilespmem:s15+$0x0 ss:$0x1], $0xffff;
	_ =	sdelay $0x5  }
0x35: {  	v0 =	vmin.u32 @!p1 v0, $0x400  }
0x36: {  	vm0 =	vmmov @!p1 $0xffff;
	s15 =	simm.s32 @!p1 $0x0;
	_ =	sdelay $0x3  }
0x37: {  	[spmem:s15] =	stream.indirect_vreg.scatter.add.s32 @!p1 [tilespmem:s18], [sflag:$0x1], $0x1, v0, vm0, $0x4038;
	[tilespmem:$0xC0] =	vst v63  }
0x38: {  	v0 =	vld.msk @!p1 [tilespmem:s20+$0x0 ss:$0x1], $0xffff;
	_ =	sdelay $0x5  }
.Ltmp2:
0x39: {  	v0 =	vmin.u32 @!p1 v0, $0x400;
	(pc) =	sbr.rel @p4 .LBB2_4-.Ltmp2, $4  }
0x3a: {  	s9 =	sadd.s32 $0x20, s9;
	p3 =	sge.u32 s19, s10;
	s16 =	sadd.s32 $0x20, s13  }
0x3b: {  	s13 =	smov.u32 s5;
	p5 =	slt.s32 s16, s8;
	s18 =	simm.s32 @!p1 $0x1  }
0x3c: {  	s17 =	sxor.u32 @!p3 $0xFFFFFFFF, s9;
	s13 =	smov.u32 @p5 s16  }
0x3d: {  	s16 =	sand.u32 @!p3 $0x20, s17;
	s17 =	sshrl.u32 @!p3 s13, $0x3  }
0x3e: {  	s5 =	smov.u32 s13  }
.LBB2_6:
0x3f: {  	_ =	sdelay $0x2  }
0x40: {  	p1 =	por p1, !p2  }
0x41: {  	[spmem:s15] =	stream.indirect_vreg.scatter.add.s32 @!p1 [tilespmem:s14], [sflag:$0x1], $0x1, v0, vm0, $0x4038;
	[tilespmem:$0xC0] =	vst v63  }
0x42: {  	_ =	swait.ge @!p1 [sflag:s18], $0x20  }
0x43: {  	s7 =	sadd.s32 @!p3 s7, s17;
	s8 =	sor.u32 @!p3 $0x40, s16;
	[sflag:s18] =	ssyncset.done @!p1 $0x0  }
0x44: {  	s5 =	sand.u32 @!p3 $0x7, s5;
	[sflag:s18] =	ssyncadd.s32 @!p1 $0xFFFFFFE0;
	p1 =	seq.s32 s9, $0x0  }
0x45: {  	[tilespmem:s8], [sflag:$0x2] =	stream.linear.gather @!p3 [hbm4b:s7+s5], $0x20, $0x38;
	[tilespmem:$0xC0] =	vst v63  }
0x46: {  	s6 =	sadd.s32 @!p3 s6, s17;
	s7 =	sor.u32 @!p3 $0x80, s16;
	s8 =	simm.s32 @!p1 $0x2  }
0x47: {  	[tilespmem:s7], [sflag:$0x2] =	stream.linear.gather @!p3 [hbm4b:s6+s5], $0x20, $0x38;
	[tilespmem:$0xC0] =	vst v63  }
0x48: {  	_ =	swait.ge @!p1 [sflag:s8], $0x40  }
0x49: {  	s5 =	sand.u32 @!p1 $0x20, s9;
	[sflag:s8] =	ssyncset.done @!p1 $0x0  }
0x4a: {  	s6 =	sor.u32 @!p1 $0x40, s5;
	[sflag:s8] =	ssyncadd.s32 @!p1 $0xFFFFFFC0  }
0x4b: {  	v0 =	vld.msk @!p1 [tilespmem:s6+$0x0 ss:$0x1], $0xffff;
	_ =	sdelay $0x4  }
0x4c: {  	v0 =	vmin.u32 @!p1 v0, $0x400;
	_ =	sdelay $0x3  }
0x4d: {  	vm0 =	vmmov @!p1 $0xffff;
	s7 =	sor.u32 @!p1 $0x50, s5;
	s8 =	simm.s32 @!p1 $0x0;
	s6 =	sor.u32 @!p1 $0x80, s5  }
0x4e: {  	[spmem:s8] =	stream.indirect_vreg.scatter.add.s32 @!p1 [tilespmem:s6], [sflag:$0x1], $0x1, v0, vm0, $0x4038;
	[tilespmem:$0xC0] =	vst v63  }
0x4f: {  	v0 =	vld.msk @!p1 [tilespmem:s7+$0x0 ss:$0x1], $0xffff;
	_ =	sdelay $0x4  }
0x50: {  	v0 =	vmin.u32 @!p1 v0, $0x400;
	_ =	sdelay $0x3  }
0x51: {  	s5 =	sor.u32 @!p1 $0x90, s5;
	s6 =	simm.s32 @!p1 $0x1  }
0x52: {  	[spmem:s8] =	stream.indirect_vreg.scatter.add.s32 @!p1 [tilespmem:s5], [sflag:$0x1], $0x1, v0, vm0, $0x4038;
	[tilespmem:$0xC0] =	vst v63  }
0x53: {  	_ =	swait.ge @!p1 [sflag:s6], $0x20  }
0x54: {  	[sflag:s6] =	ssyncset.done @!p1 $0x0  }
0x55: {  	[sflag:s6] =	ssyncadd.s32 @!p1 $0xFFFFFFE0  }
0x56: {  	_ =	sfence.sel $0x180000  }
0x57: {  	[bflag:$0x0] =	sbarrier.arrive $0xFFFF  }
0x58: {  	[sflag:s4] =	ssyncpa.u1 $0x1  }
0x59: {  	[sflag:s3] =	ssyncpa.u1 $0x1  }
0x5a: {  	_ =	sfence.stream.spmem  }
0x5b: {  	s31 =	simm.s32 $0x3D;
	[bflag:$0x0] =	sbarrier.arrive $0xFFFF  }
0x5c: {  	s3 =	simm.s32 @p0 $0x3D;
	[sflag:s31] =	ssyncpa.u1 $0x0  }
0x5d: {  	[sflag:s3] =	ssyncpa.u1 @p0 $0x1  }
0x5e: {  	[bflag:$0x0] =	sbarrier.arrive @p0 $0xFFFF  }
0x5f: {  	_ =	strace @p0 $0x90000047  }
0x60: {  	s3 =	simm.s32 @!p0 $0x1C3D;
	[bflag:$0x2] =	sbarrier.arrive @p0 $0xFFFF  }
0x61: {  	[hbm:s1], [sflag:s3] =	dma.local @!p0 [spmem:s2], $0x80  }
0x62: {  	s1 =	simm.s32 @!p0 $0x3D  }
0x63: {  	_ =	swait.ge @!p0 [sflag:s1], $0x80  }
0x64: {  	[sflag:s1] =	ssyncset.done @!p0 $0x0  }
0x65: {  	[sflag:s1] =	ssyncadd.s32 @!p0 $0xFFFFFF80  }
0x66: {  	[sflag:s1] =	ssyncpa.u1 @!p0 $0x1  }
0x67: {  	[bflag:$0x0] =	sbarrier.arrive @!p0 $0xFFFF  }
0x68: {  	_ =	strace @!p0 $0x90000047  }
0x69: {  	s0 =	sadd.s32 @!p0 $0x100000, s0;
	[bflag:$0x2] =	sbarrier.arrive @!p0 $0xFFFF  }
0x6a: {  	[sflag:s0] =	ssyncadd.tile.s32 @!p0 $0x1;
	_ =	shalt  }
.LBB2_1:
.Ltmp3:
0x6b: {  	(pc) =	sbr.rel .LBB2_6-.Ltmp3, $2  }
0x6c: {  	_ =	sdelay $0x2  }
0x6d: {  	_ = 	snop  }
.LBB2_3:
.Ltmp4:
0x6e: {  	(pc) =	sbr.rel .LBB2_6-.Ltmp4, $2  }
0x6f: {  	_ =	sdelay $0x2  }
0x70: {  	s5 =	smov.u32 s13  }
.Lfunc_end2:
_tile_overlayer_lowered:
.L_overlay_start_2:
0x71: {  	(tag) =	ssettag $0x2  }
0x72: {  	s0 =	rddreg [dreg:$0x0];
	s2 =	stileid.u32  }
0x73: {  	s1 =	rddreg [dreg:$0x1];
	p0 =	sne.s32 s2, $0x0  }
0x74: {  	s3 =	rddreg [dreg:$0x2];
	[bflag:$0x3] =	sbarrier.arrive $0xFFFF;
	s2 =	simm.s32 @!p0 $0x1C01  }
0x75: {  	[timem:s3], [sflag:s2] =	dma.local @!p0 [hbm:s0], s1  }
0x76: {  	s0 =	simm.s32 @!p0 $0x1  }
0x77: {  	_ =	swait.ge @!p0 [sflag:s0], s1  }
0x78: {  	s1 =	ssub.s32 @!p0 $0x0, s1;
	[sflag:s0] =	ssyncset.done @!p0 $0x0  }
0x79: {  	[sflag:s0] =	ssyncadd.s32 @!p0 s1  }
0x7a: {  	[bflag:$0x3] =	sbarrier.arrive $0xFFFF  }
0x7b: {  	_ =	shalt  }

</sc_bundles>
